<compile_context>
chip_gen: v7x
topology: tpu7x:2x2x1
jax: 0.10.2.dev20260603
libtpu: 0.0.44.dev20260713+nightly
codegen_flags: <defaults>
</compile_context>

<pallas_src>
import functools

import jax
import jax.numpy as jnp
from jax import lax
from jax.experimental import pallas as pl
from jax.experimental.pallas import tpu as pltpu
from jax.experimental.pallas import tpu_sc as plsc

D_MODEL = 2048
N_TOK = 16384
NC, NS, L = 2, 16, 16
CHUNK = 16
ROWS_C0 = 480
ROWS_C1 = 544
IDX_MAX = max(ROWS_C0, ROWS_C1)


def _sc_body(zeros_hbm, idx_hbm, out_hbm, buf0, buf1, idx_v, sem0, sem1):
    bufs = (buf0, buf1)
    sems = (sem0, sem1)
    c_ax = lax.axis_index("c")
    s_ax = lax.axis_index("s")
    is0 = c_ax == 0
    n_chunks = jnp.where(is0, ROWS_C0 // CHUNK, ROWS_C1 // CHUNK)
    base = jnp.where(is0, s_ax * ROWS_C0, NS * ROWS_C0 + s_ax * ROWS_C1)
    pltpu.sync_copy(zeros_hbm, buf0)
    pltpu.sync_copy(zeros_hbm, buf1)
    pltpu.sync_copy(idx_hbm.at[pl.ds(base, IDX_MAX)], idx_v)
    row16 = lax.iota(jnp.int32, L)
    one = jnp.full((L,), 1.0, jnp.float32)
    zero = jnp.zeros((L,), jnp.float32)

    def out_slice(c):
        return out_hbm.at[pl.ds(base + c * CHUNK, CHUNK)]

    def step(g, _):
        for b in range(2):
            c = g * 2 + b

            @pl.when(c >= 2)
            def _drain():
                pltpu.make_async_copy(bufs[b], out_slice(c - 2), sems[b]).wait()
                cols_prev = idx_v[pl.ds((c - 2) * CHUNK, L)]
                plsc.store_scatter(bufs[b], [row16, cols_prev], zero)

            cols = idx_v[pl.ds(c * CHUNK, L)]
            plsc.store_scatter(bufs[b], [row16, cols], one)
            pltpu.make_async_copy(bufs[b], out_slice(c), sems[b]).start()
        return _

    lax.fori_loop(0, n_chunks // 2, step, None)
    for b in range(2):
        c_last = n_chunks - 2 + b
        pltpu.make_async_copy(bufs[b], out_slice(c_last), sems[b]).wait()


def kernel(x):
    b, s, _ = x.shape
    idx = x.reshape(N_TOK)
    zeros = jnp.zeros((CHUNK, D_MODEL), jnp.float32)
    mesh = plsc.VectorSubcoreMesh(core_axis_name="c", subcore_axis_name="s")
    k = functools.partial(
        pl.kernel,
        mesh=mesh,
        out_type=jax.ShapeDtypeStruct((N_TOK, D_MODEL), jnp.float32),
        scratch_types=[
            pltpu.VMEM((CHUNK, D_MODEL), jnp.float32),
            pltpu.VMEM((CHUNK, D_MODEL), jnp.float32),
            pltpu.VMEM((IDX_MAX,), jnp.int32),
            pltpu.SemaphoreType.DMA,
            pltpu.SemaphoreType.DMA,
        ],
        compiler_params=pltpu.CompilerParams(
            needs_layout_passes=False,
            disable_bounds_checks=True,
            disable_semaphore_checks=True,
        ),
    )(_sc_body)
    out = k(zeros, idx)
    return (out.reshape(b, s, D_MODEL),)

# --- scband reference (transcript-rebuilt; emitter-appended) ---
"""Pipeline reference for scband-one-hot-encoder-49460843380966 (READ-ONLY COPY).

The authoritative reference and input builder live on the scoring server;
editing this copy changes nothing except your own understanding.
"""

import jax, jax.numpy as jnp
import numpy as np

D_MODEL = 2048


def setup_inputs(seed: int = 0) -> dict:
    key = jax.random.key(seed)
    x = jax.random.randint(key, (4, 4096, 1), 0, D_MODEL, dtype=jnp.int64) if jax.config.jax_enable_x64 else jax.random.randint(key, (4, 4096, 1), 0, D_MODEL, dtype=jnp.int32)
    return {"x": x}


def reference(x):
    # Faithful translation of OneHotEncoder.forward:
    #   F.one_hot(x.squeeze(-1), d_model).float()
    idx = jnp.squeeze(x, axis=-1)
    out = jax.nn.one_hot(idx, D_MODEL, dtype=jnp.float32)
    return (out,)

if __name__ == "__main__":
    import jax
    _d = setup_inputs()
    print(jax.jit(kernel)(*tuple(_d.values())))

</pallas_src>

<mosaic_0001>
#map = affine_map<(d0, d1) -> (0, 0)>
#map1 = affine_map<(d0, d1) -> (0)>
module attributes {stable_mosaic.version = 14 : i64} {
  func.func @_sc_body(%arg0: i32, %arg1: i32, %arg2: memref<16x2048xf32, #tpu.memory_space<hbm>>, %arg3: memref<16384xi32, #tpu.memory_space<hbm>>, %arg4: memref<16384x2048xf32, #tpu.memory_space<hbm>>, %arg5: memref<16x2048xf32, #tpu.memory_space<vmem>>, %arg6: memref<16x2048xf32, #tpu.memory_space<vmem>>, %arg7: memref<544xi32, #tpu.memory_space<vmem>>, %arg8: memref<!tpu.dma_semaphore, #tpu.memory_space<semaphore_mem>>, %arg9: memref<!tpu.dma_semaphore, #tpu.memory_space<semaphore_mem>>) attributes {dimension_semantics = [#tpu.dimension_semantics<core_parallel>, #tpu.dimension_semantics<subcore_parallel>], iteration_bounds = array<i64: 2, 16>, scalar_prefetch = 0 : i64, scratch_operands = 5 : i64, tpu.core_type = #tpu.core_type<sc_vector_subcore>, window_params = [{transform_indices = #map}, {transform_indices = #map1}, {transform_indices = #map}]} {
    %eq3A = arith.constant 0 : i32
    %eq3A_0 = arith.cmpi eq, %arg0, %eq3A : i32
    %jit3A = arith.constant 30 : i32
    %jit3A_1 = arith.constant 34 : i32
    %select_n3A = arith.select %eq3A_0, %jit3A, %jit3A_1 : i32
    %mul3A = arith.constant 480 : i32
    %mul3A_2 = arith.muli %arg1, %mul3A : i32
    %mul3A_3 = arith.constant 544 : i32
    %mul3A_4 = arith.muli %arg1, %mul3A_3 : i32
    %add3A = arith.constant 7680 : i32
    %add3A_5 = arith.addi %add3A, %mul3A_4 : i32
    %select_n3A_6 = arith.select %eq3A_0, %mul3A_2, %add3A_5 : i32
    "tpu.region"() ({
      %run_scoped3A = tpu.sem_alloc : memref<!tpu.dma_semaphore, #tpu.memory_space<semaphore_mem>>
      tpu.enqueue_dma source(%arg2 : memref<16x2048xf32, #tpu.memory_space<hbm>>) target(%arg5 : memref<16x2048xf32, #tpu.memory_space<vmem>>) target_semaphore(%run_scoped3A : memref<!tpu.dma_semaphore, #tpu.memory_space<semaphore_mem>>)
      tpu.wait_dma2 semaphore(%run_scoped3A : memref<!tpu.dma_semaphore, #tpu.memory_space<semaphore_mem>>) src(%arg2 : memref<16x2048xf32, #tpu.memory_space<hbm>>) dst(%arg5 : memref<16x2048xf32, #tpu.memory_space<vmem>>)
      tpu.yield
    }) : () -> ()
    "tpu.region"() ({
      %run_scoped3A = tpu.sem_alloc : memref<!tpu.dma_semaphore, #tpu.memory_space<semaphore_mem>>
      tpu.enqueue_dma source(%arg2 : memref<16x2048xf32, #tpu.memory_space<hbm>>) target(%arg6 : memref<16x2048xf32, #tpu.memory_space<vmem>>) target_semaphore(%run_scoped3A : memref<!tpu.dma_semaphore, #tpu.memory_space<semaphore_mem>>)
      tpu.wait_dma2 semaphore(%run_scoped3A : memref<!tpu.dma_semaphore, #tpu.memory_space<semaphore_mem>>) src(%arg2 : memref<16x2048xf32, #tpu.memory_space<hbm>>) dst(%arg6 : memref<16x2048xf32, #tpu.memory_space<vmem>>)
      tpu.yield
    }) : () -> ()
    "tpu.region"() ({
      %run_scoped3A = tpu.sem_alloc : memref<!tpu.dma_semaphore, #tpu.memory_space<semaphore_mem>>
      %dma_start3A = tpu.memref_slice %arg3[%select_n3A_6] : memref<16384xi32, #tpu.memory_space<hbm>> -> memref<544xi32, #tpu.memory_space<hbm>>
      %dma_start3A_57 = tpu.memref_slice %arg3[%select_n3A_6] : memref<16384xi32, #tpu.memory_space<hbm>> -> memref<544xi32, #tpu.memory_space<hbm>>
      tpu.enqueue_dma source(%dma_start3A_57 : memref<544xi32, #tpu.memory_space<hbm>>) target(%arg7 : memref<544xi32, #tpu.memory_space<vmem>>) target_semaphore(%run_scoped3A : memref<!tpu.dma_semaphore, #tpu.memory_space<semaphore_mem>>)
      %dma_wait3A_58 = tpu.memref_slice %arg3[%select_n3A_6] : memref<16384xi32, #tpu.memory_space<hbm>> -> memref<544xi32, #tpu.memory_space<hbm>>
      %dma_wait3A_59 = tpu.memref_slice %arg3[%select_n3A_6] : memref<16384xi32, #tpu.memory_space<hbm>> -> memref<544xi32, #tpu.memory_space<hbm>>
      tpu.wait_dma2 semaphore(%run_scoped3A : memref<!tpu.dma_semaphore, #tpu.memory_space<semaphore_mem>>) src(%dma_wait3A_59 : memref<544xi32, #tpu.memory_space<hbm>>) dst(%arg7 : memref<544xi32, #tpu.memory_space<vmem>>)
      tpu.yield
    }) : () -> ()
    %iota3A = tpu.iota {dimensions = array<i32: 0>} : vector<16xi32>
    %broadcast_in_dim3A = arith.constant 1.000000e+00 : f32
    %broadcast_in_dim3A_7 = vector.broadcast %broadcast_in_dim3A : f32 to vector<16xf32>
    %broadcast_in_dim3A_8 = arith.constant 0.000000e+00 : f32
    %broadcast_in_dim3A_9 = vector.broadcast %broadcast_in_dim3A_8 : f32 to vector<16xf32>
    %jit3A_10 = arith.constant 2 : i32
    %div3A = arith.divsi %select_n3A, %jit3A_10 : i32
    %sign3A = arith.constant 0 : i32
    %sign3A_11 = arith.cmpi sgt, %select_n3A, %sign3A : i32
    %sign3A_12 = arith.extui %sign3A_11 : i1 to i32
    %sign3A_13 = arith.constant 0 : i32
    %sign3A_14 = arith.cmpi slt, %select_n3A, %sign3A_13 : i32
    %sign3A_15 = arith.extui %sign3A_14 : i1 to i32
    %sign3A_16 = arith.subi %sign3A_12, %sign3A_15 : i32
    %sign3A_17 = arith.constant 0 : i32
    %sign3A_18 = arith.cmpi sgt, %jit3A_10, %sign3A_17 : i32
    %sign3A_19 = arith.extui %sign3A_18 : i1 to i32
    %sign3A_20 = arith.constant 0 : i32
    %sign3A_21 = arith.cmpi slt, %jit3A_10, %sign3A_20 : i32
    %sign3A_22 = arith.extui %sign3A_21 : i1 to i32
    %sign3A_23 = arith.subi %sign3A_19, %sign3A_22 : i32
    %ne3A = arith.cmpi ne, %sign3A_16, %sign3A_23 : i32
    %rem3A = arith.remsi %select_n3A, %jit3A_10 : i32
    %ne3A_24 = arith.constant 0 : i32
    %ne3A_25 = arith.cmpi ne, %rem3A, %ne3A_24 : i32
    %and3A = arith.andi %ne3A, %ne3A_25 : i1
    %sub3A = arith.constant 1 : i32
    %sub3A_26 = arith.subi %div3A, %sub3A : i32
    %select_n3A_27 = arith.select %and3A, %sub3A_26, %div3A : i32
    %while3A = arith.constant 0 : i32
    %while3A_28 = arith.subi %select_n3A_27, %while3A : i32
    %while3A_29 = arith.addi %while3A, %while3A_28 : i32
    %while3A_30 = arith.constant 1 : i32
    %while3A_31 = arith.divsi %while3A_28, %while3A_30 : i32
    %while3A_32 = arith.muli %while3A_31, %while3A_30 : i32
    %while3A_33 = arith.addi %while3A, %while3A_32 : i32
    %while3A_34 = arith.constant 1 : i32
    scf.for %while3A_57 = %while3A to %while3A_33 step %while3A_34  : i32 {
      %mul3A_58 = arith.constant 2 : i32
      %mul3A_59 = arith.muli %while3A_57, %mul3A_58 : i32
      %add3A_60 = arith.constant 0 : i32
      %add3A_61 = arith.addi %mul3A_59, %add3A_60 : i32
      %ge3A = arith.constant 2 : i32
      %ge3A_62 = arith.cmpi sge, %add3A_61, %ge3A : i32
      %convert_element_type3A = arith.extui %ge3A_62 : i1 to i32
      %cond3A = arith.constant 0 : i32
      %cond3A_63 = arith.cmpi ne, %convert_element_type3A, %cond3A : i32
      scf.if %cond3A_63 {
        %sub3A_93 = arith.constant 2 : i32
        %sub3A_94 = arith.subi %add3A_61, %sub3A_93 : i32
        %mul3A_95 = arith.constant 16 : i32
        %mul3A_96 = arith.muli %sub3A_94, %mul3A_95 : i32
        %add3A_97 = arith.addi %select_n3A_6, %mul3A_96 : i32
        %dma_wait3A_98 = arith.constant 0 : i32
        %dma_wait3A_99 = tpu.memref_slice %arg4[%add3A_97, %dma_wait3A_98] : memref<16384x2048xf32, #tpu.memory_space<hbm>> -> memref<16x2048xf32, #tpu.memory_space<hbm>>
        %dma_wait3A_100 = arith.constant 0 : i32
        %dma_wait3A_101 = tpu.memref_slice %arg4[%add3A_97, %dma_wait3A_100] : memref<16384x2048xf32, #tpu.memory_space<hbm>> -> memref<16x2048xf32, #tpu.memory_space<hbm>>
        tpu.wait_dma2 semaphore(%arg8 : memref<!tpu.dma_semaphore, #tpu.memory_space<semaphore_mem>>) src(%arg5 : memref<16x2048xf32, #tpu.memory_space<vmem>>) dst(%dma_wait3A_101 : memref<16x2048xf32, #tpu.memory_space<hbm>>)
        %sub3A_102 = arith.constant 2 : i32
        %sub3A_103 = arith.subi %add3A_61, %sub3A_102 : i32
        %mul3A_104 = arith.constant 16 : i32
        %mul3A_105 = arith.muli %sub3A_103, %mul3A_104 : i32
        %get3A_106 = arith.index_cast %mul3A_105 : i32 to index
        %get3A_107 = tpu.vector_load %arg7[%get3A_106] {strides = array<i32>} : memref<544xi32, #tpu.memory_space<vmem>>, vector<16xi32>,
        tpu.vector_store_idx %arg5[%iota3A, %get3A_107], %broadcast_in_dim3A_9 : memref<16x2048xf32, #tpu.memory_space<vmem>>[vector<16xi32>, vector<16xi32>], vector<16xf32>,
      } else {
      }
      %mul3A_64 = arith.constant 16 : i32
      %mul3A_65 = arith.muli %add3A_61, %mul3A_64 : i32
      %get3A = arith.index_cast %mul3A_65 : i32 to index
      %get3A_66 = tpu.vector_load %arg7[%get3A] {strides = array<i32>} : memref<544xi32, #tpu.memory_space<vmem>>, vector<16xi32>,
      tpu.vector_store_idx %arg5[%iota3A, %get3A_66], %broadcast_in_dim3A_7 : memref<16x2048xf32, #tpu.memory_space<vmem>>[vector<16xi32>, vector<16xi32>], vector<16xf32>,
      %mul3A_67 = arith.constant 16 : i32
      %mul3A_68 = arith.muli %add3A_61, %mul3A_67 : i32
      %add3A_69 = arith.addi %select_n3A_6, %mul3A_68 : i32
      %dma_start3A = arith.constant 0 : i32
      %dma_start3A_70 = tpu.memref_slice %arg4[%add3A_69, %dma_start3A] : memref<16384x2048xf32, #tpu.memory_space<hbm>> -> memref<16x2048xf32, #tpu.memory_space<hbm>>
      %dma_start3A_71 = arith.constant 0 : i32
      %dma_start3A_72 = tpu.memref_slice %arg4[%add3A_69, %dma_start3A_71] : memref<16384x2048xf32, #tpu.memory_space<hbm>> -> memref<16x2048xf32, #tpu.memory_space<hbm>>
      tpu.enqueue_dma source(%arg5 : memref<16x2048xf32, #tpu.memory_space<vmem>>) target(%dma_start3A_72 : memref<16x2048xf32, #tpu.memory_space<hbm>>) target_semaphore(%arg8 : memref<!tpu.dma_semaphore, #tpu.memory_space<semaphore_mem>>)
      %mul3A_73 = arith.constant 2 : i32
      %mul3A_74 = arith.muli %while3A_57, %mul3A_73 : i32
      %add3A_75 = arith.constant 1 : i32
      %add3A_76 = arith.addi %mul3A_74, %add3A_75 : i32
      %ge3A_77 = arith.constant 2 : i32
      %ge3A_78 = arith.cmpi sge, %add3A_76, %ge3A_77 : i32
      %convert_element_type3A_79 = arith.extui %ge3A_78 : i1 to i32
      %cond3A_80 = arith.constant 0 : i32
      %cond3A_81 = arith.cmpi ne, %convert_element_type3A_79, %cond3A_80 : i32
      scf.if %cond3A_81 {
        %sub3A_93 = arith.constant 2 : i32
        %sub3A_94 = arith.subi %add3A_76, %sub3A_93 : i32
        %mul3A_95 = arith.constant 16 : i32
        %mul3A_96 = arith.muli %sub3A_94, %mul3A_95 : i32
        %add3A_97 = arith.addi %select_n3A_6, %mul3A_96 : i32
        %dma_wait3A_98 = arith.constant 0 : i32
        %dma_wait3A_99 = tpu.memref_slice %arg4[%add3A_97, %dma_wait3A_98] : memref<16384x2048xf32, #tpu.memory_space<hbm>> -> memref<16x2048xf32, #tpu.memory_space<hbm>>
        %dma_wait3A_100 = arith.constant 0 : i32
        %dma_wait3A_101 = tpu.memref_slice %arg4[%add3A_97, %dma_wait3A_100] : memref<16384x2048xf32, #tpu.memory_space<hbm>> -> memref<16x2048xf32, #tpu.memory_space<hbm>>
        tpu.wait_dma2 semaphore(%arg9 : memref<!tpu.dma_semaphore, #tpu.memory_space<semaphore_mem>>) src(%arg6 : memref<16x2048xf32, #tpu.memory_space<vmem>>) dst(%dma_wait3A_101 : memref<16x2048xf32, #tpu.memory_space<hbm>>)
        %sub3A_102 = arith.constant 2 : i32
        %sub3A_103 = arith.subi %add3A_76, %sub3A_102 : i32
        %mul3A_104 = arith.constant 16 : i32
        %mul3A_105 = arith.muli %sub3A_103, %mul3A_104 : i32
        %get3A_106 = arith.index_cast %mul3A_105 : i32 to index
        %get3A_107 = tpu.vector_load %arg7[%get3A_106] {strides = array<i32>} : memref<544xi32, #tpu.memory_space<vmem>>, vector<16xi32>,
        tpu.vector_store_idx %arg6[%iota3A, %get3A_107], %broadcast_in_dim3A_9 : memref<16x2048xf32, #tpu.memory_space<vmem>>[vector<16xi32>, vector<16xi32>], vector<16xf32>,
      } else {
      }
      %mul3A_82 = arith.constant 16 : i32
      %mul3A_83 = arith.muli %add3A_76, %mul3A_82 : i32
      %get3A_84 = arith.index_cast %mul3A_83 : i32 to index
      %get3A_85 = tpu.vector_load %arg7[%get3A_84] {strides = array<i32>} : memref<544xi32, #tpu.memory_space<vmem>>, vector<16xi32>,
      tpu.vector_store_idx %arg6[%iota3A, %get3A_85], %broadcast_in_dim3A_7 : memref<16x2048xf32, #tpu.memory_space<vmem>>[vector<16xi32>, vector<16xi32>], vector<16xf32>,
      %mul3A_86 = arith.constant 16 : i32
      %mul3A_87 = arith.muli %add3A_76, %mul3A_86 : i32
      %add3A_88 = arith.addi %select_n3A_6, %mul3A_87 : i32
      %dma_start3A_89 = arith.constant 0 : i32
      %dma_start3A_90 = tpu.memref_slice %arg4[%add3A_88, %dma_start3A_89] : memref<16384x2048xf32, #tpu.memory_space<hbm>> -> memref<16x2048xf32, #tpu.memory_space<hbm>>
      %dma_start3A_91 = arith.constant 0 : i32
      %dma_start3A_92 = tpu.memref_slice %arg4[%add3A_88, %dma_start3A_91] : memref<16384x2048xf32, #tpu.memory_space<hbm>> -> memref<16x2048xf32, #tpu.memory_space<hbm>>
      tpu.enqueue_dma source(%arg6 : memref<16x2048xf32, #tpu.memory_space<vmem>>) target(%dma_start3A_92 : memref<16x2048xf32, #tpu.memory_space<hbm>>) target_semaphore(%arg9 : memref<!tpu.dma_semaphore, #tpu.memory_space<semaphore_mem>>)
    }
    %while3A_35 = arith.constant 1 : i32
    scf.for %while3A_57 = %while3A_33 to %while3A_29 step %while3A_35  : i32 {
      %mul3A_58 = arith.constant 2 : i32
      %mul3A_59 = arith.muli %while3A_57, %mul3A_58 : i32
      %add3A_60 = arith.constant 0 : i32
      %add3A_61 = arith.addi %mul3A_59, %add3A_60 : i32
      %ge3A = arith.constant 2 : i32
      %ge3A_62 = arith.cmpi sge, %add3A_61, %ge3A : i32
      %convert_element_type3A = arith.extui %ge3A_62 : i1 to i32
      %cond3A = arith.constant 0 : i32
      %cond3A_63 = arith.cmpi ne, %convert_element_type3A, %cond3A : i32
      scf.if %cond3A_63 {
        %sub3A_93 = arith.constant 2 : i32
        %sub3A_94 = arith.subi %add3A_61, %sub3A_93 : i32
        %mul3A_95 = arith.constant 16 : i32
        %mul3A_96 = arith.muli %sub3A_94, %mul3A_95 : i32
        %add3A_97 = arith.addi %select_n3A_6, %mul3A_96 : i32
        %dma_wait3A_98 = arith.constant 0 : i32
        %dma_wait3A_99 = tpu.memref_slice %arg4[%add3A_97, %dma_wait3A_98] : memref<16384x2048xf32, #tpu.memory_space<hbm>> -> memref<16x2048xf32, #tpu.memory_space<hbm>>
        %dma_wait3A_100 = arith.constant 0 : i32
        %dma_wait3A_101 = tpu.memref_slice %arg4[%add3A_97, %dma_wait3A_100] : memref<16384x2048xf32, #tpu.memory_space<hbm>> -> memref<16x2048xf32, #tpu.memory_space<hbm>>
        tpu.wait_dma2 semaphore(%arg8 : memref<!tpu.dma_semaphore, #tpu.memory_space<semaphore_mem>>) src(%arg5 : memref<16x2048xf32, #tpu.memory_space<vmem>>) dst(%dma_wait3A_101 : memref<16x2048xf32, #tpu.memory_space<hbm>>)
        %sub3A_102 = arith.constant 2 : i32
        %sub3A_103 = arith.subi %add3A_61, %sub3A_102 : i32
        %mul3A_104 = arith.constant 16 : i32
        %mul3A_105 = arith.muli %sub3A_103, %mul3A_104 : i32
        %get3A_106 = arith.index_cast %mul3A_105 : i32 to index
        %get3A_107 = tpu.vector_load %arg7[%get3A_106] {strides = array<i32>} : memref<544xi32, #tpu.memory_space<vmem>>, vector<16xi32>,
        tpu.vector_store_idx %arg5[%iota3A, %get3A_107], %broadcast_in_dim3A_9 : memref<16x2048xf32, #tpu.memory_space<vmem>>[vector<16xi32>, vector<16xi32>], vector<16xf32>,
      } else {
      }
      %mul3A_64 = arith.constant 16 : i32
      %mul3A_65 = arith.muli %add3A_61, %mul3A_64 : i32
      %get3A = arith.index_cast %mul3A_65 : i32 to index
      %get3A_66 = tpu.vector_load %arg7[%get3A] {strides = array<i32>} : memref<544xi32, #tpu.memory_space<vmem>>, vector<16xi32>,
      tpu.vector_store_idx %arg5[%iota3A, %get3A_66], %broadcast_in_dim3A_7 : memref<16x2048xf32, #tpu.memory_space<vmem>>[vector<16xi32>, vector<16xi32>], vector<16xf32>,
      %mul3A_67 = arith.constant 16 : i32
      %mul3A_68 = arith.muli %add3A_61, %mul3A_67 : i32
      %add3A_69 = arith.addi %select_n3A_6, %mul3A_68 : i32
      %dma_start3A = arith.constant 0 : i32
      %dma_start3A_70 = tpu.memref_slice %arg4[%add3A_69, %dma_start3A] : memref<16384x2048xf32, #tpu.memory_space<hbm>> -> memref<16x2048xf32, #tpu.memory_space<hbm>>
      %dma_start3A_71 = arith.constant 0 : i32
      %dma_start3A_72 = tpu.memref_slice %arg4[%add3A_69, %dma_start3A_71] : memref<16384x2048xf32, #tpu.memory_space<hbm>> -> memref<16x2048xf32, #tpu.memory_space<hbm>>
      tpu.enqueue_dma source(%arg5 : memref<16x2048xf32, #tpu.memory_space<vmem>>) target(%dma_start3A_72 : memref<16x2048xf32, #tpu.memory_space<hbm>>) target_semaphore(%arg8 : memref<!tpu.dma_semaphore, #tpu.memory_space<semaphore_mem>>)
      %mul3A_73 = arith.constant 2 : i32
      %mul3A_74 = arith.muli %while3A_57, %mul3A_73 : i32
      %add3A_75 = arith.constant 1 : i32
      %add3A_76 = arith.addi %mul3A_74, %add3A_75 : i32
      %ge3A_77 = arith.constant 2 : i32
      %ge3A_78 = arith.cmpi sge, %add3A_76, %ge3A_77 : i32
      %convert_element_type3A_79 = arith.extui %ge3A_78 : i1 to i32
      %cond3A_80 = arith.constant 0 : i32
      %cond3A_81 = arith.cmpi ne, %convert_element_type3A_79, %cond3A_80 : i32
      scf.if %cond3A_81 {
        %sub3A_93 = arith.constant 2 : i32
        %sub3A_94 = arith.subi %add3A_76, %sub3A_93 : i32
        %mul3A_95 = arith.constant 16 : i32
        %mul3A_96 = arith.muli %sub3A_94, %mul3A_95 : i32
        %add3A_97 = arith.addi %select_n3A_6, %mul3A_96 : i32
        %dma_wait3A_98 = arith.constant 0 : i32
        %dma_wait3A_99 = tpu.memref_slice %arg4[%add3A_97, %dma_wait3A_98] : memref<16384x2048xf32, #tpu.memory_space<hbm>> -> memref<16x2048xf32, #tpu.memory_space<hbm>>
        %dma_wait3A_100 = arith.constant 0 : i32
        %dma_wait3A_101 = tpu.memref_slice %arg4[%add3A_97, %dma_wait3A_100] : memref<16384x2048xf32, #tpu.memory_space<hbm>> -> memref<16x2048xf32, #tpu.memory_space<hbm>>
        tpu.wait_dma2 semaphore(%arg9 : memref<!tpu.dma_semaphore, #tpu.memory_space<semaphore_mem>>) src(%arg6 : memref<16x2048xf32, #tpu.memory_space<vmem>>) dst(%dma_wait3A_101 : memref<16x2048xf32, #tpu.memory_space<hbm>>)
        %sub3A_102 = arith.constant 2 : i32
        %sub3A_103 = arith.subi %add3A_76, %sub3A_102 : i32
        %mul3A_104 = arith.constant 16 : i32
        %mul3A_105 = arith.muli %sub3A_103, %mul3A_104 : i32
        %get3A_106 = arith.index_cast %mul3A_105 : i32 to index
        %get3A_107 = tpu.vector_load %arg7[%get3A_106] {strides = array<i32>} : memref<544xi32, #tpu.memory_space<vmem>>, vector<16xi32>,
        tpu.vector_store_idx %arg6[%iota3A, %get3A_107], %broadcast_in_dim3A_9 : memref<16x2048xf32, #tpu.memory_space<vmem>>[vector<16xi32>, vector<16xi32>], vector<16xf32>,
      } else {
      }
      %mul3A_82 = arith.constant 16 : i32
      %mul3A_83 = arith.muli %add3A_76, %mul3A_82 : i32
      %get3A_84 = arith.index_cast %mul3A_83 : i32 to index
      %get3A_85 = tpu.vector_load %arg7[%get3A_84] {strides = array<i32>} : memref<544xi32, #tpu.memory_space<vmem>>, vector<16xi32>,
      tpu.vector_store_idx %arg6[%iota3A, %get3A_85], %broadcast_in_dim3A_7 : memref<16x2048xf32, #tpu.memory_space<vmem>>[vector<16xi32>, vector<16xi32>], vector<16xf32>,
      %mul3A_86 = arith.constant 16 : i32
      %mul3A_87 = arith.muli %add3A_76, %mul3A_86 : i32
      %add3A_88 = arith.addi %select_n3A_6, %mul3A_87 : i32
      %dma_start3A_89 = arith.constant 0 : i32
      %dma_start3A_90 = tpu.memref_slice %arg4[%add3A_88, %dma_start3A_89] : memref<16384x2048xf32, #tpu.memory_space<hbm>> -> memref<16x2048xf32, #tpu.memory_space<hbm>>
      %dma_start3A_91 = arith.constant 0 : i32
      %dma_start3A_92 = tpu.memref_slice %arg4[%add3A_88, %dma_start3A_91] : memref<16384x2048xf32, #tpu.memory_space<hbm>> -> memref<16x2048xf32, #tpu.memory_space<hbm>>
      tpu.enqueue_dma source(%arg6 : memref<16x2048xf32, #tpu.memory_space<vmem>>) target(%dma_start3A_92 : memref<16x2048xf32, #tpu.memory_space<hbm>>) target_semaphore(%arg9 : memref<!tpu.dma_semaphore, #tpu.memory_space<semaphore_mem>>)
    }
    %sub3A_36 = arith.constant 2 : i32
    %sub3A_37 = arith.subi %select_n3A, %sub3A_36 : i32
    %add3A_38 = arith.constant 0 : i32
    %add3A_39 = arith.addi %sub3A_37, %add3A_38 : i32
    %mul3A_40 = arith.constant 16 : i32
    %mul3A_41 = arith.muli %add3A_39, %mul3A_40 : i32
    %add3A_42 = arith.addi %select_n3A_6, %mul3A_41 : i32
    %dma_wait3A = arith.constant 0 : i32
    %dma_wait3A_43 = tpu.memref_slice %arg4[%add3A_42, %dma_wait3A] : memref<16384x2048xf32, #tpu.memory_space<hbm>> -> memref<16x2048xf32, #tpu.memory_space<hbm>>
    %dma_wait3A_44 = arith.constant 0 : i32
    %dma_wait3A_45 = tpu.memref_slice %arg4[%add3A_42, %dma_wait3A_44] : memref<16384x2048xf32, #tpu.memory_space<hbm>> -> memref<16x2048xf32, #tpu.memory_space<hbm>>
    tpu.wait_dma2 semaphore(%arg8 : memref<!tpu.dma_semaphore, #tpu.memory_space<semaphore_mem>>) src(%arg5 : memref<16x2048xf32, #tpu.memory_space<vmem>>) dst(%dma_wait3A_45 : memref<16x2048xf32, #tpu.memory_space<hbm>>)
    %sub3A_46 = arith.constant 2 : i32
    %sub3A_47 = arith.subi %select_n3A, %sub3A_46 : i32
    %add3A_48 = arith.constant 1 : i32
    %add3A_49 = arith.addi %sub3A_47, %add3A_48 : i32
    %mul3A_50 = arith.constant 16 : i32
    %mul3A_51 = arith.muli %add3A_49, %mul3A_50 : i32
    %add3A_52 = arith.addi %select_n3A_6, %mul3A_51 : i32
    %dma_wait3A_53 = arith.constant 0 : i32
    %dma_wait3A_54 = tpu.memref_slice %arg4[%add3A_52, %dma_wait3A_53] : memref<16384x2048xf32, #tpu.memory_space<hbm>> -> memref<16x2048xf32, #tpu.memory_space<hbm>>
    %dma_wait3A_55 = arith.constant 0 : i32
    %dma_wait3A_56 = tpu.memref_slice %arg4[%add3A_52, %dma_wait3A_55] : memref<16384x2048xf32, #tpu.memory_space<hbm>> -> memref<16x2048xf32, #tpu.memory_space<hbm>>
    tpu.wait_dma2 semaphore(%arg9 : memref<!tpu.dma_semaphore, #tpu.memory_space<semaphore_mem>>) src(%arg6 : memref<16x2048xf32, #tpu.memory_space<vmem>>) dst(%dma_wait3A_56 : memref<16x2048xf32, #tpu.memory_space<hbm>>)
    return
  }
}

</mosaic_0001>

<sc_bundles>
// kernel: kernel.3.cloned.1.call-start
scs
__scs_entry_jumppad:
0x0: {  	(pc) =	sbr.rel $0x88, $3  }
0x1: {  	(tag) =	ssettag $0x0;
	lr =	simm.s32 $0x1  }
0x2: {  	[smem:$0x3FA0] =	sst lr;
	_ =	strace $0xD0000000  }
0x3: {  	_ = 	snop  }
0x4: {  	_ = 	snop  }
0x5: {  	_ = 	snop  }
0x6: {  	_ = 	snop  }
0x7: {  	_ = 	snop  }
__scs_overlays_trampoline_lowered:
0x8: {  	[smem:$0x3FAF] =	sst s0  }
0x9: {  	[smem:$0x3FB0] =	sst s1  }
0xa: {  	[smem:$0x3FB1] =	sst s2  }
0xb: {  	[smem:$0x3FB2] =	sst s3  }
0xc: {  	[smem:$0x3FB3] =	sst s4  }
0xd: {  	[smem:$0x3FB4] =	sst s5  }
0xe: {  	[smem:$0x3FB5] =	sst s6  }
0xf: {  	[smem:$0x3FB6] =	sst s7  }
0x10: {  	[smem:$0x3FB7] =	sst s8  }
0x11: {  	[smem:$0x3FB8] =	sst s9;
	s0 =	simm.s32 @!p0 $0x0  }
0x12: {  	s1 =	sld [smem:$0x3F9E];
	s0 =	simm.s32 @p0 $0x1  }
0x13: {  	[smem:$0x3FB9] =	sst s0;
	s0 =	simm.s32 @!p1 $0x0  }
0x14: {  	s2 =	sld [smem:$0x3F9D];
	s0 =	simm.s32 @p1 $0x1  }
0x15: {  	[smem:$0x3FBA] =	sst s0;
	s0 =	simm.s32 @!p2 $0x0  }
0x16: {  	s3 =	sld [smem:$0x3FDB];
	s0 =	simm.s32 @p2 $0x1  }
0x17: {  	s4 =	simm.s32 $0x1BF5;
	[smem:$0x3FBC] =	sst s0  }
0x18: {  	s0 =	sld [smem:$0x3F9F];
	_ =	swait.ge [sflag:s4], $0x0  }
0x19: {  	s7 =	sld [smem:$0x3FA0]  }
0x1a: {  	s8 =	sadd.s32 $0xFFFFE003, lr  }
0x1b: {  	s9 =	sadd.s32 $0xFFFFFEF7, lr;
	s5 =	simm.s32 $0xFFFFFFFF;
	p2 =	slt.u32 s8, $0xFFFFF086  }
0x1c: {  	p1 =	slt.u32 s9, $0xF7A;
	s5 =	simm.s32 @!p2 $0x0  }
0x1d: {  	s5 =	simm.s32 @p1 $0x1;
	p0 =	seq.s32 s7, s2  }
0x1e: {  	s7 =	smul.u32 @!p0 $0xF7A, s2;
	p2 =	seq.s32 @!p0 s5, $0x0  }
0x1f: {  	s9 =	smul.u32 $0xF7A, s1;
	s8 =	simm.s32 @!p0 $0x1BF5;
	p2 =	por !p2, p0  }
0x20: {  	[sflag:s8] =	ssyncset.s32 @!p0 $0xFFFFF086;
	s6 =	sadd.s32 @!p0 s3, s7;
	s7 =	simm.s32 @!p0 $0x108  }
0x21: {  	s3 =	sadd.s32 s3, s9;
	s6 =	sadd.s32 @!p0 $0x88, s6;
	s7 =	simm.s32 @p2 $0x1082  }
0x22: {  	[simem:s7], [sflag:s8] =	dma.local @!p0 [hbm:s6], $0xF7A  }
0x23: {  	s9 =	sor.u32 $0xD0000000, s2;
	s6 =	simm.s32 $0x108;
	_ =	swait.ge @!p0 [sflag:s8], $0x0  }
0x24: {  	s3 =	sadd.s32 $0x88, s3;
	s6 =	simm.s32 @!p1 $0x1082;
	[sflag:s4] =	ssyncset.s32 $0xFFFFF086  }
0x25: {  	[simem:s6], [sflag:s4] =	dma.local [hbm:s3], $0xF7A  }
0x26: {  	[smem:$0x3FA0] =	sst s1;
	(tag) =	ssettag s2;
	_ =	strace s9  }
0x27: {  	s1 =	sld [smem:$0x3FB0]  }
0x28: {  	s2 =	sld [smem:$0x3FB1]  }
0x29: {  	s4 =	sld [smem:$0x3FB3]  }
0x2a: {  	p0 =	seq.s32 s5, $0x0;
	s5 =	sld [smem:$0x3FB4]  }
0x2b: {  	s6 =	sld [smem:$0x3FB5]  }
0x2c: {  	s7 =	sld [smem:$0x3FB6]  }
0x2d: {  	s3 =	simm.s32 $0x108;
	s8 =	sld [smem:$0x3FB7]  }
0x2e: {  	s3 =	simm.s32 @!p0 $0x1082;
	s9 =	sld [smem:$0x3FB8]  }
0x2f: {  	lr =	sadd.s32 s0, s3;
	s0 =	sld [smem:$0x3FAF]  }
0x30: {  	s3 =	sld [smem:$0x3FB2]  }
0x31: {  	[smem:$0x3FBB] =	sst s10  }
0x32: {  	s10 =	sld [smem:$0x3FB9];
	_ =	sdelay $0x3  }
0x33: {  	p0 =	seq.s32 s10, $0x1;
	s10 =	sld [smem:$0x3FBB];
	_ =	sdelay $0x3  }
0x34: {  	[smem:$0x3FBB] =	sst s10  }
0x35: {  	s10 =	sld [smem:$0x3FBA];
	_ =	sdelay $0x3  }
0x36: {  	p1 =	seq.s32 s10, $0x1;
	s10 =	sld [smem:$0x3FBB];
	_ =	sdelay $0x3  }
0x37: {  	[smem:$0x3FBB] =	sst s10  }
0x38: {  	s10 =	sld [smem:$0x3FBC]  }
0x39: {  	_ = 	snop;
	(pc) =	sbr.ind lr, $3  }
0x3a: {  	_ = 	snop  }
0x3b: {  	_ = 	snop  }
0x3c: {  	p2 =	seq.s32 s10, $0x1;
	s10 =	sld [smem:$0x3FBB]  }
0x3d: {  	_ =	shalt  }
0x3e: {  	_ =	shalt  }
0x3f: {  	_ =	shalt  }
0x40: {  	_ =	shalt  }
0x41: {  	_ =	shalt  }
0x42: {  	_ =	shalt  }
0x43: {  	_ =	shalt  }
0x44: {  	_ =	shalt  }
0x45: {  	_ =	shalt  }
0x46: {  	_ =	shalt  }
0x47: {  	_ =	shalt  }
0x48: {  	_ =	shalt  }
0x49: {  	_ =	shalt  }
0x4a: {  	_ =	shalt  }
0x4b: {  	_ =	shalt  }
0x4c: {  	_ =	shalt  }
0x4d: {  	_ =	shalt  }
0x4e: {  	_ =	shalt  }
0x4f: {  	_ =	shalt  }
0x50: {  	_ =	shalt  }
0x51: {  	_ =	shalt  }
0x52: {  	_ =	shalt  }
0x53: {  	_ =	shalt  }
0x54: {  	_ =	shalt  }
0x55: {  	_ =	shalt  }
0x56: {  	_ =	shalt  }
0x57: {  	_ =	shalt  }
0x58: {  	_ =	shalt  }
0x59: {  	_ =	shalt  }
0x5a: {  	_ =	shalt  }
0x5b: {  	_ =	shalt  }
0x5c: {  	_ =	shalt  }
0x5d: {  	_ =	shalt  }
0x5e: {  	_ =	shalt  }
0x5f: {  	_ =	shalt  }
0x60: {  	_ =	shalt  }
0x61: {  	_ =	shalt  }
0x62: {  	_ =	shalt  }
0x63: {  	_ =	shalt  }
0x64: {  	_ =	shalt  }
0x65: {  	_ =	shalt  }
0x66: {  	_ =	shalt  }
0x67: {  	_ =	shalt  }
0x68: {  	_ =	shalt  }
0x69: {  	_ =	shalt  }
0x6a: {  	_ =	shalt  }
0x6b: {  	_ =	shalt  }
0x6c: {  	_ =	shalt  }
0x6d: {  	_ =	shalt  }
0x6e: {  	_ =	shalt  }
0x6f: {  	_ =	shalt  }
0x70: {  	_ =	shalt  }
0x71: {  	_ =	shalt  }
0x72: {  	_ =	shalt  }
0x73: {  	_ =	shalt  }
0x74: {  	_ =	shalt  }
0x75: {  	_ =	shalt  }
0x76: {  	_ =	shalt  }
0x77: {  	_ =	shalt  }
0x78: {  	_ =	shalt  }
0x79: {  	_ =	shalt  }
0x7a: {  	_ =	shalt  }
0x7b: {  	_ =	shalt  }
0x7c: {  	_ =	shalt  }
0x7d: {  	_ =	shalt  }
0x7e: {  	_ =	shalt  }
0x7f: {  	_ =	shalt  }
0x80: {  	_ =	shalt  }
0x81: {  	_ =	shalt  }
0x82: {  	_ =	shalt  }
0x83: {  	_ =	shalt  }
0x84: {  	_ =	shalt  }
0x85: {  	_ =	shalt  }
0x86: {  	_ =	shalt  }
0x87: {  	_ =	shalt  }
.Lfunc_end0:
.L_simem_size_0:
called_computation_lowered:
.L_overlay_start_0:
0x88: {  	s2 =	sld [smem:$0x3FD9]  }
0x89: {  	s3 =	sld [smem:$0x3FFE];
	_ =	sdelay $0x1  }
0x8a: {  	s1 =	srdreg.scid  }
0x8b: {  	s0 =	sand.u32 $0x1, s1  }
0x8c: {  	s17 =	sshll.u32 s0, $0xA;
	s2 =	sadd.s32 s3, s2  }
0x8d: {  	s2 =	sadd.s32 s2, s17  }
0x8e: {  	[smem:$0x3FC7] =	sst s2  }
0x8f: {  	_ = 	snop  }
0x90: {  	s2 =	sld [smem:$0x3FC9]  }
0x91: {  	s18 =	sld [smem:$0x3FD0];
	(tm) =	ssettm $0x1  }
0x92: {  	s4 =	sld [smem:$0x3FFB];
	_ =	sdelay $0x3  }
0x93: {  	_ =	strace s4  }
0x94: {  	s4 =	sld [smem:$0x3FFC];
	_ =	sdelay $0x3  }
0x95: {  	_ =	strace s4  }
0x96: {  	s4 =	sld [smem:$0x3FFD];
	_ =	sdelay $0x3  }
0x97: {  	_ =	strace s4  }
0x98: {  	_ =	strace $0x8FFFFFFF  }
0x99: {  	s19 =	sld [smem:$0x3FDB];
	_ =	sdelay $0x1  }
0x9a: {  	s5 =	simm.s32 $_scs_section_size  }
0x9b: {  	s6 =	simm.s32 $_size__tile_overlayer_lowered;
	s7 =	simm.s32 $_tile_overlayer_lowered  }
0x9c: {  	s22 =	simm.s32 $0x1BFF;
	s21 =	sshll.u32 s7, $0x1;
	s4 =	sadd.s32 s5, s19  }
0x9d: {  	s8 =	simm.s32 $0x0;
	s20 =	sshll.u32 s6, $0x1;
	s6 =	sadd.s32 s21, s4  }
0x9e: {  	[timem:s8], [sflag:s22] =	dma.local [hbm:s6], s20  }
0x9f: {  	_ =	swait.ge [sflag:s22], s20  }
0xa0: {  	s5 =	ssub.s32 $0x0, s20;
	[sflag:s22] =	ssyncset.done $0x0  }
0xa1: {  	[sflag:s22] =	ssyncadd.s32 s5;
	_ =	sdelay $0x1  }
0xa2: {  	s23 =	simm.s32 $0x1B8B  }
0xa3: {  	_ =	swait.ge [sflag:s23], $0x1  }
0xa4: {  	[sflag:s23] =	ssyncset.done $0x0  }
0xa5: {  	s25 =	simm.s32 $0x1B8E;
	s24 =	sld [smem:$0x3FFE];
	[sflag:s23] =	ssyncadd.s32 $0xFFFFFFFF  }
0xa6: {  	s26 =	simm.s32 $execute0_lowered;
	[smem:$0x3FD2] =	sst s25  }
0xa7: {  	s6 =	sshll.u32 s26, $0x1;
	_ =	strace $0x80000046;
	[dreg:$0x1] =	wrdreg $0xFFFFFFFF  }
0xa8: {  	s28 =	simm.s32 $_size_execute0_lowered;
	s4 =	sadd.s32 s4, s6;
	[dreg:$0x0] =	wrdreg $0x0  }
0xa9: {  	s6 =	sshll.u32 s28, $0x1;
	[dreg:$0x2] =	wrdreg s4  }
0xaa: {  	[dreg:$0x3] =	wrdreg s6  }
0xab: {  	[dreg:$0x4] =	wrdreg $0xC0  }
0xac: {  	_ =	task [dreg:s8], $0x5FFFF  }
0xad: {  	[dreg:$0x1] =	wrdreg $0xFFFFFFFF  }
0xae: {  	[dreg:$0x0] =	wrdreg $0x60  }
0xaf: {  	[dreg:$0x2] =	wrdreg s24  }
0xb0: {  	[dreg:$0x3] =	wrdreg s2  }
0xb1: {  	[dreg:$0x4] =	wrdreg s18  }
0xb2: {  	[dreg:$0x5] =	wrdreg $0x9  }
0xb3: {  	_ =	task.clear_ibuf [dreg:s8], $0x6FFFF;
	_ =	strace $0x90000046  }
0xb4: {  	s29 =	simm.s32 $0x9;
	_ =	strace $0x80000048  }
0xb5: {  	_ =	swait.ge [sflag:s29], $0x1  }
0xb6: {  	[sflag:s29] =	ssyncadd.s32 $0xFFFFFFFF  }
0xb7: {  	_ =	strace $0x90000048  }
0xb8: {  	_ =	sfence  }
0xb9: {  	s30 =	sld [smem:$0x0];
	_ =	sdelay $0x2  }
0xba: {  	s31 =	sshll.u32 s1, $0xD;
	s1 =	sshrl.u32 s1, $0x2  }
0xbb: {  	s3 =	sand.u32 $0x4000, s31;
	s1 =	sadd.s32 s1, s30  }
0xbc: {  	s0 =	sor.u32 s3, s0;
	s1 =	sshll.u32 s1, $0x11  }
0xbd: {  	s0 =	sor.u32 s1, s0  }
0xbe: {  	s0 =	sadd.s32 $0x8F2B, s0  }
0xbf: {  	[sflag:s0] =	ssyncadd.remote.s32 $0x1  }
0xc0: {  	_ =	sfence.sel $0xFFFF  }
0xc1: {  	[dreg:$0x0] =	wrdreg $0xFFFFFFFF;
	(pc) =	sbr.abs _section_cstart, $3  }
0xc2: {  	[dreg:$0x1] =	wrdreg $0xFFFFFFFF  }
0xc3: {  	_ =	task.clear_ibuf [dreg:s8], $0x2FFFF;
	_ =	strace $0x9FFFFFFF  }
0xc4: {  	(tm) =	ssettm $0x7FFFFFFF  }
0xc5: {  	_ =	shalt  }
tec
execute0_lowered:
.L_overlay_start_1:
0x0: {  	(tag) =	ssettag $0x1  }
0x1: {  	v0 =	vimm.s32 $0x4380;
	vm0 =	vcmask $0x300  }
0x2: {  	vm14 =	vcmask $0x704;
	v0 =	vsel vm0, $0x0, v0  }
0x3: {  	s3 =	rddreg [dreg:$0x0];
	vm15 =	vcmask $0xB08;
	v0 =	vsel vm14, $0x80, v0  }
0x4: {  	s5 =	rddreg [dreg:$0x1];
	vm4 =	vcmask $0xF0C;
	v0 =	vsel vm15, $0x100, v0  }
0x5: {  	s6 =	rddreg [dreg:$0x2];
	vm5 =	vcmask $0x1310;
	v0 =	vsel vm4, $0x180, v0  }
0x6: {  	s0 =	rddreg [dreg:$0x3];
	vm6 =	vcmask $0x1714;
	v0 =	vsel vm5, $0x200, v0  }
0x7: {  	s2 =	simm.s32 $0x0;
	s4 =	srdreg.scid;
	s1 =	stileid.u32;
	vm7 =	vcmask $0x1B18;
	v0 =	vsel vm6, $0x280, v0  }
0x8: {  	vm8 =	vcmask $0x1F1C;
	s11 =	simm.s32 $0x8000;
	s12 =	simm.s32 $0x10000;
	s13 =	simm.s32 $0x1;
	v0 =	vsel vm7, $0x300, v0  }
0x9: {  	vm9 =	vcmask $0x2320;
	s14 =	simm.s32 $0x2;
	s15 =	simm.s32 $0x0;
	s7 =	smul.u32 $0x220, s1;
	v0 =	vsel vm8, $0x380, v0  }
0xa: {  	vm10 =	vcmask $0x2724;
	[smem:$0x7FF] =	sst s2;
	s4 =	sand.u32 $0x1, s4;
	s9 =	smul.u32 $0x1E0, s1;
	v0 =	vsel vm9, $0x4000, v0  }
0xb: {  	vm11 =	vcmask $0x2B28;
	s3 =	sadd.s32 $0x400, s3;
	_ =	strace $0x80000047;
	s8 =	ssub.s32 $0x2, s4;
	v0 =	vsel vm10, $0x4080, v0  }
0xc: {  	vm12 =	vcmask $0x2F2C;
	p0 =	seq.s32 s4, $0x0;
	s4 =	simm.s32 $0xE;
	s7 =	sadd.s32 $0x1E00, s7;
	v0 =	vsel vm11, $0x4100, v0  }
0xd: {  	vm13 =	vcmask $0x3330;
	s10 =	sshrl.u32 s8, $0x1;
	s4 =	simm.s32 @!p0 $0x10;
	s7 =	smov.u32 @p0 s9;
	v0 =	vsel vm12, $0x4180, v0  }
0xe: {  	vm14 =	vcmask $0x3734;
	s8 =	ssub.s32 s8, s10;
	s9 =	sshrl.u32 s7, $0x3;
	s7 =	sshll.u32 s7, $0x8;
	v0 =	vsel vm13, $0x4200, v0  }
0xf: {  	vm15 =	vcmask $0x3B38;
	s10 =	simm.s32 $0x3;
	s5 =	sadd.s32 s5, s9;
	s6 =	sadd.s32 s6, s7;
	v0 =	vsel vm14, $0x4280, v0  }
0x10: {  	v1 =	vimm.f32 $1.000000000e+00;
	v2 =	vimm.f32 $0.0e+00;
	s7 =	smax.u32 s8, $0x1;
	s8 =	sadd.s32 $0x1000, s6;
	s9 =	sadd.s32 $0x2000, s6;
	v0 =	vsel vm15, $0x4300, v0  }
.LBB2_1:
0x11: {  	[tilespmem:s2], [sflag:$0x3] =	stream.linear.gather [hbm4b:s3+s2], $0x8000, $0x38;
	[tilespmem:$0x10280] =	vst v63  }
0x12: {  	_ =	swait.ge [sflag:s10], $0x8000  }
0x13: {  	[sflag:s10] =	ssyncset.done $0x0  }
0x14: {  	[sflag:s10] =	ssyncadd.s32 $0xFFFF8000  }
0x15: {  	[tilespmem:s11], [sflag:$0x3] =	stream.linear.gather [hbm4b:s3+s2], $0x8000, $0x38;
	[tilespmem:$0x10280] =	vst v63  }
0x16: {  	_ =	swait.ge [sflag:s10], $0x8000  }
0x17: {  	[sflag:s10] =	ssyncset.done $0x0  }
0x18: {  	[sflag:s10] =	ssyncadd.s32 $0xFFFF8000  }
0x19: {  	[tilespmem:s12], [sflag:$0x3] =	stream.linear.gather [hbm4b:s5+s2], $0x220, $0x38;
	[tilespmem:$0x10280] =	vst v63  }
0x1a: {  	_ =	swait.ge [sflag:s10], $0x220  }
0x1b: {  	[sflag:s10] =	ssyncset.done $0x0  }
0x1c: {  	[sflag:s10] =	ssyncadd.s32 $0xFFFFFDE0  }
0x1d: {  	v3 =	vld [tilespmem:$0x10000];
	_ =	sdelay $0x4  }
0x1e: {  	v4 =	vshll.u32 v3, $0x3  }
0x1f: {  	v3 =	vand.u32 $0x7F, v3;
	v4 =	vand.u32 $0xFFFFFC00, v4  }
0x20: {  	v3 =	vor.u32 v3, v4  }
0x21: {  	v3 =	vadd.s32 v0, v3;
	_ =	sdelay $0x4  }
0x22: {  	[tilespmem:v3+s2+$0x0] =	vst.idx.msk $0xffff, v1  }
0x23: {  	[hbm4b:s6+s2] =	stream.linear.scatter [tilespmem:s2], [sflag:$0x1], $0x8000, $0x38;
	[tilespmem:$0x10280] =	vst v63  }
0x24: {  	v3 =	vld [tilespmem:$0x10010];
	_ =	sdelay $0x4  }
0x25: {  	v63 =	vshll.u32 v3, $0x3  }
0x26: {  	v3 =	vand.u32 $0x7F, v3;
	v4 =	vand.u32 $0xFFFFFC00, v63  }
0x27: {  	v3 =	vor.u32 v3, v4  }
0x28: {  	v3 =	vadd.s32 v0, v3;
	_ =	sdelay $0x4  }
0x29: {  	s16 =	simm.s32 $0x10020;
	s17 =	smov.u32 s9;
	s18 =	smov.u32 s4;
	[tilespmem:v3+s11+$0x0] =	vst.idx.msk $0xffff, v1  }
0x2a: {  	[hbm4b:s8+s2] =	stream.linear.scatter [tilespmem:s11], [sflag:$0x2], $0x8000, $0x38;
	[tilespmem:$0x10280] =	vst v63  }
.LBB2_2:
0x2b: {  	_ =	swait.ge [sflag:s13], $0x8000  }
0x2c: {  	[sflag:s13] =	ssyncset.done $0x0  }
0x2d: {  	[sflag:s13] =	ssyncadd.s32 $0xFFFF8000  }
0x2e: {  	v3 =	vld [tilespmem:s16+$0xFFFFFFE0];
	_ =	sdelay $0x4  }
0x2f: {  	v4 =	vshll.u32 v3, $0x3  }
0x30: {  	v3 =	vand.u32 $0x7F, v3;
	v4 =	vand.u32 $0xFFFFFC00, v4  }
0x31: {  	v3 =	vor.u32 v3, v4  }
0x32: {  	v3 =	vadd.s32 v0, v3;
	_ =	sdelay $0x4  }
0x33: {  	[tilespmem:v3+s2+$0x0] =	vst.idx.msk $0xffff, v2  }
0x34: {  	v3 =	vld [tilespmem:s16+$0x0];
	_ =	sdelay $0x4  }
0x35: {  	v61 =	vshll.u32 v3, $0x3  }
0x36: {  	v3 =	vand.u32 $0x7F, v3;
	v4 =	vand.u32 $0xFFFFFC00, v61  }
0x37: {  	v3 =	vor.u32 v3, v4  }
0x38: {  	v3 =	vadd.s32 v0, v3;
	_ =	sdelay $0x4  }
0x39: {  	[tilespmem:v3+s2+$0x0] =	vst.idx.msk $0xffff, v1  }
0x3a: {  	[hbm4b:s17+s2] =	stream.linear.scatter [tilespmem:s2], [sflag:$0x1], $0x8000, $0x38;
	[tilespmem:$0x10280] =	vst v63  }
0x3b: {  	_ =	swait.ge [sflag:s14], $0x8000  }
0x3c: {  	[sflag:s14] =	ssyncset.done $0x0  }
0x3d: {  	[sflag:s14] =	ssyncadd.s32 $0xFFFF8000  }
0x3e: {  	v3 =	vld [tilespmem:s16+$0xFFFFFFF0];
	_ =	sdelay $0x4  }
0x3f: {  	v62 =	vshll.u32 v3, $0x3  }
0x40: {  	v3 =	vand.u32 $0x7F, v3;
	v4 =	vand.u32 $0xFFFFFC00, v62  }
0x41: {  	v3 =	vor.u32 v3, v4  }
0x42: {  	v3 =	vadd.s32 v0, v3;
	_ =	sdelay $0x4  }
0x43: {  	[tilespmem:v3+s11+$0x0] =	vst.idx.msk $0xffff, v2  }
0x44: {  	v3 =	vld [tilespmem:s16+$0x10];
	_ =	sdelay $0x4  }
0x45: {  	v63 =	vshll.u32 v3, $0x3  }
0x46: {  	v3 =	vand.u32 $0x7F, v3;
	v4 =	vand.u32 $0xFFFFFC00, v63  }
0x47: {  	v3 =	vor.u32 v3, v4  }
0x48: {  	v3 =	vadd.s32 v0, v3  }
0x49: {  	p0 =	sne.s32 s18, $0x1  }
.Ltmp0:
0x4a: {  	_ = 	snop;
	(pc) =	sbr.rel @p0 .LBB2_2-.Ltmp0, $4  }
0x4b: {  	_ = 	snop  }
0x4c: {  	s19 =	sadd.s32 $0x1000, s17  }
0x4d: {  	s18 =	sadd.s32 $0xFFFFFFFF, s18;
	s17 =	sadd.s32 $0x2000, s17;
	s16 =	sadd.s32 $0x20, s16;
	[tilespmem:v3+s11+$0x0] =	vst.idx.msk $0xffff, v1  }
0x4e: {  	[hbm4b:s19+s2] =	stream.linear.scatter [tilespmem:s11], [sflag:$0x2], $0x8000, $0x38;
	[tilespmem:$0x10280] =	vst v63  }
0x4f: {  	s15 =	sadd.s32 $0x1, s15  }
0x50: {  	_ =	swait.ge [sflag:s13], $0x8000;
	p0 =	sne.s32 s15, s7  }
.Ltmp1:
0x51: {  	[sflag:s13] =	ssyncset.done $0x0;
	(pc) =	sbr.rel @p0 .LBB2_1-.Ltmp1, $4  }
0x52: {  	[sflag:s13] =	ssyncadd.s32 $0xFFFF8000  }
0x53: {  	_ =	swait.ge [sflag:s14], $0x8000  }
0x54: {  	[sflag:s14] =	ssyncset.done $0x0  }
0x55: {  	[sflag:s14] =	ssyncadd.s32 $0xFFFF8000  }
0x56: {  	_ =	sfence.sel $0x180000  }
0x57: {  	[bflag:$0x0] =	sbarrier.arrive $0xFFFF  }
0x58: {  	p0 =	sne.s32 s1, $0x0;
	_ =	strace $0x90000047  }
0x59: {  	s0 =	sadd.s32 @!p0 $0x100000, s0;
	[bflag:$0x2] =	sbarrier.arrive $0xFFFF  }
0x5a: {  	[sflag:s0] =	ssyncadd.tile.s32 @!p0 $0x1;
	_ =	shalt  }
.Lfunc_end2:
_tile_overlayer_lowered:
.L_overlay_start_2:
0x5b: {  	(tag) =	ssettag $0x2  }
0x5c: {  	s0 =	rddreg [dreg:$0x0];
	s2 =	stileid.u32  }
0x5d: {  	s1 =	rddreg [dreg:$0x1];
	p0 =	sne.s32 s2, $0x0  }
0x5e: {  	s3 =	rddreg [dreg:$0x2];
	[bflag:$0x3] =	sbarrier.arrive $0xFFFF;
	s2 =	simm.s32 @!p0 $0x1C03  }
0x5f: {  	[timem:s3], [sflag:s2] =	dma.local @!p0 [hbm:s0], s1  }
0x60: {  	s0 =	simm.s32 @!p0 $0x3  }
0x61: {  	_ =	swait.ge @!p0 [sflag:s0], s1  }
0x62: {  	s1 =	ssub.s32 @!p0 $0x0, s1;
	[sflag:s0] =	ssyncset.done @!p0 $0x0  }
0x63: {  	[sflag:s0] =	ssyncadd.s32 @!p0 s1  }
0x64: {  	[bflag:$0x3] =	sbarrier.arrive $0xFFFF  }
0x65: {  	_ =	shalt  }

</sc_bundles>
